<compile_context>
chip_gen: v7x
topology: tpu7x:2x2x1
jax: 0.10.2.dev20260603
libtpu: 0.0.44.dev20260713+nightly
codegen_flags: <defaults>
</compile_context>

<pallas_src>
import jax
import jax.numpy as jnp
from jax import lax
from jax.experimental import pallas as pl
from jax.experimental.pallas import tpu as pltpu
from jax.experimental.pallas import tpu_sc as plsc
import functools

_NUM_ITEMS = 100000
_HIST = 20
_BATCH = 1024
_NC = 2
_NS = 16
_L = 16
_NW = _NC * _NS
_ROWS_PER_W = _BATCH // _NW
_HP = 128


def _sc_body(uid_hbm, upi_hbm, p_hbm, out_hbm, uid_v, items_v, p_v, zbuf,
             gsem):
    c = lax.axis_index("c")
    s = lax.axis_index("s")
    wid = s * _NC + c
    base = wid * _ROWS_PER_W

    pltpu.sync_copy(uid_hbm.at[pl.ds(base, _ROWS_PER_W)], uid_v)
    pltpu.async_copy(upi_hbm.at[uid_v], items_v, gsem).wait()
    pltpu.sync_copy(p_hbm, p_v)

    vval = p_v[...] + 100.0
    vzero = jnp.zeros((_L,), jnp.float32)

    def zfill(j, carry):
        for k in range(10):
            zbuf[pl.ds((j * 10 + k) * _L, _L)] = vzero
        return carry

    lax.fori_loop(0, 625, zfill, 0)

    mask_hi = lax.iota(jnp.int32, _L) >= 12

    def row(i, carry):
        idx0 = items_v[i, pl.ds(0, _L)]
        idx1 = items_v[i, pl.ds(4, _L)]
        plsc.store_scatter(zbuf, [idx0], vval)
        plsc.store_scatter(zbuf, [idx1], vval, mask=mask_hi)
        pltpu.sync_copy(zbuf, out_hbm.at[base + i])
        plsc.store_scatter(zbuf, [idx0], vzero)
        plsc.store_scatter(zbuf, [idx1], vzero, mask=mask_hi)
        return carry

    lax.fori_loop(0, _ROWS_PER_W, row, 0)


@jax.jit
def kernel(users_ids, users_pos_items, param):
    mesh = plsc.VectorSubcoreMesh(
        core_axis_name="c", subcore_axis_name="s", num_cores=_NC,
        num_subcores=_NS)
    p16 = jnp.broadcast_to(param.astype(jnp.float32), (_L,))
    upi_p = jnp.pad(users_pos_items.astype(jnp.int32),
                    ((0, 0), (0, _HP - _HIST)))
    run = functools.partial(
        pl.kernel,
        out_type=jax.ShapeDtypeStruct((_BATCH, _NUM_ITEMS), jnp.float32),
        mesh=mesh,
        compiler_params=pltpu.CompilerParams(
            needs_layout_passes=False, use_tc_tiling_on_sc=True),
        scratch_types=[
            pltpu.VMEM((_ROWS_PER_W,), jnp.int32),
            pltpu.VMEM((_ROWS_PER_W, _HP), jnp.int32),
            pltpu.VMEM((_L,), jnp.float32),
            pltpu.VMEM((_NUM_ITEMS,), jnp.float32),
            pltpu.SemaphoreType.DMA,
        ],
    )(_sc_body)
    return run(users_ids.astype(jnp.int32), upi_p, p16)

# --- scband reference (transcript-rebuilt; emitter-appended) ---
"""Pipeline reference for scband-perfect-recommender-90829968375861 (READ-ONLY COPY).

The authoritative reference and input builder live on the scoring server;
editing this copy changes nothing except your own understanding.
"""

import jax, jax.numpy as jnp
import numpy as np

NUM_USERS = 100000
NUM_ITEMS = 100000
HIST = 20
BATCH = 1024

def setup_inputs(seed: int = 0) -> dict:
    key = jax.random.key(seed)
    k1, k2 = jax.random.split(key)
    users_ids = jax.random.randint(k1, (BATCH,), 0, NUM_USERS, dtype=jnp.int64 if jax.config.jax_enable_x64 else jnp.int32)
    users_pos_items = jax.random.randint(k2, (NUM_USERS, HIST), 0, NUM_ITEMS, dtype=jnp.int64 if jax.config.jax_enable_x64 else jnp.int32)
    param = jnp.asarray(100.0, dtype=jnp.float32)
    return {"users_ids": users_ids, "users_pos_items": users_pos_items, "param": param}

def reference(users_ids, users_pos_items, param):
    # gather each batch user's first 20 positive items
    batch_users_pos_items = users_pos_items[users_ids, :HIST]
    action_value = jnp.zeros((users_ids.shape[0], NUM_ITEMS), dtype=jnp.float32)
    rows = jnp.arange(users_ids.shape[0])[:, None]
    # scatter-overwrite: set the positive-item slots to param + 100.0
    action_value = action_value.at[rows, batch_users_pos_items].set(param + 100.0)
    return action_value

if __name__ == "__main__":
    import jax
    _d = setup_inputs()
    print(jax.jit(kernel)(*tuple(_d.values())))

</pallas_src>

<mosaic_0001>
#map = affine_map<(d0, d1) -> (0)>
#map1 = affine_map<(d0, d1) -> (0, 0)>
module attributes {stable_mosaic.version = 14 : i64} {
  func.func @_sc_body(%arg0: i32, %arg1: i32, %arg2: memref<1024xi32, #tpu.memory_space<hbm>>, %arg3: memref<100000x128xi32, #tpu.memory_space<hbm>>, %arg4: memref<16xf32, #tpu.memory_space<hbm>>, %arg5: memref<1024x100000xf32, #tpu.memory_space<hbm>>, %arg6: memref<32xi32, #tpu.memory_space<vmem>>, %arg7: memref<32x128xi32, #tpu.memory_space<vmem>>, %arg8: memref<16xf32, #tpu.memory_space<vmem>>, %arg9: memref<100000xf32, #tpu.memory_space<vmem>>, %arg10: memref<!tpu.dma_semaphore, #tpu.memory_space<semaphore_mem>>) attributes {dimension_semantics = [#tpu.dimension_semantics<core_parallel>, #tpu.dimension_semantics<subcore_parallel>], iteration_bounds = array<i64: 2, 16>, scalar_prefetch = 0 : i64, scratch_operands = 5 : i64, tpu.core_type = #tpu.core_type<sc_vector_subcore>, window_params = [{transform_indices = #map}, {transform_indices = #map1}, {transform_indices = #map}, {transform_indices = #map1}]} {
    %mul3A = arith.constant 2 : i32
    %mul3A_0 = arith.muli %arg1, %mul3A : i32
    %add3A = arith.addi %mul3A_0, %arg0 : i32
    %mul3A_1 = arith.constant 32 : i32
    %mul3A_2 = arith.muli %add3A, %mul3A_1 : i32
    "tpu.region"() ({
      %run_scoped3A = tpu.sem_alloc : memref<!tpu.dma_semaphore, #tpu.memory_space<semaphore_mem>>
      %dma_start3A_25 = tpu.memref_slice %arg2[%mul3A_2] : memref<1024xi32, #tpu.memory_space<hbm>> -> memref<32xi32, #tpu.memory_space<hbm>>
      %dma_start3A_26 = tpu.memref_slice %arg2[%mul3A_2] : memref<1024xi32, #tpu.memory_space<hbm>> -> memref<32xi32, #tpu.memory_space<hbm>>
      tpu.enqueue_dma source(%dma_start3A_26 : memref<32xi32, #tpu.memory_space<hbm>>) target(%arg6 : memref<32xi32, #tpu.memory_space<vmem>>) target_semaphore(%run_scoped3A : memref<!tpu.dma_semaphore, #tpu.memory_space<semaphore_mem>>)
      %dma_wait3A_27 = tpu.memref_slice %arg2[%mul3A_2] : memref<1024xi32, #tpu.memory_space<hbm>> -> memref<32xi32, #tpu.memory_space<hbm>>
      %dma_wait3A_28 = tpu.memref_slice %arg2[%mul3A_2] : memref<1024xi32, #tpu.memory_space<hbm>> -> memref<32xi32, #tpu.memory_space<hbm>>
      tpu.wait_dma2 semaphore(%run_scoped3A : memref<!tpu.dma_semaphore, #tpu.memory_space<semaphore_mem>>) src(%dma_wait3A_28 : memref<32xi32, #tpu.memory_space<hbm>>) dst(%arg6 : memref<32xi32, #tpu.memory_space<vmem>>)
      tpu.yield
    }) : () -> ()
    %dma_start3A = arith.constant 0 : i32
    %dma_start3A_3 = arith.constant 0 : i32
    %dma_start3A_4 = tpu.memref_slice %arg3[%dma_start3A, %dma_start3A_3] : memref<100000x128xi32, #tpu.memory_space<hbm>> -> memref<100000x128xi32, #tpu.memory_space<hbm>>
    tpu.enqueue_indirect_dma source(%dma_start3A_4 : memref<100000x128xi32, #tpu.memory_space<hbm>>) target(%arg7 : memref<32x128xi32, #tpu.memory_space<vmem>>) offsets(%arg6 : memref<32xi32, #tpu.memory_space<vmem>>) semaphore(%arg10 : memref<!tpu.dma_semaphore, #tpu.memory_space<semaphore_mem>>)
    %dma_wait3A = arith.constant 0 : i32
    %dma_wait3A_5 = arith.constant 0 : i32
    %dma_wait3A_6 = tpu.memref_slice %arg3[%dma_wait3A, %dma_wait3A_5] : memref<100000x128xi32, #tpu.memory_space<hbm>> -> memref<100000x128xi32, #tpu.memory_space<hbm>>
    tpu.wait_indirect_dma semaphore(%arg10 : memref<!tpu.dma_semaphore, #tpu.memory_space<semaphore_mem>>) src(%dma_wait3A_6 : memref<100000x128xi32, #tpu.memory_space<hbm>>) dst(%arg7 : memref<32x128xi32, #tpu.memory_space<vmem>>)
    "tpu.region"() ({
      %run_scoped3A = tpu.sem_alloc : memref<!tpu.dma_semaphore, #tpu.memory_space<semaphore_mem>>
      tpu.enqueue_dma source(%arg4 : memref<16xf32, #tpu.memory_space<hbm>>) target(%arg8 : memref<16xf32, #tpu.memory_space<vmem>>) target_semaphore(%run_scoped3A : memref<!tpu.dma_semaphore, #tpu.memory_space<semaphore_mem>>)
      tpu.wait_dma2 semaphore(%run_scoped3A : memref<!tpu.dma_semaphore, #tpu.memory_space<semaphore_mem>>) src(%arg4 : memref<16xf32, #tpu.memory_space<hbm>>) dst(%arg8 : memref<16xf32, #tpu.memory_space<vmem>>)
      tpu.yield
    }) : () -> ()
    %get3A = arith.constant 0 : index
    %get3A_7 = tpu.vector_load %arg8[%get3A] {strides = array<i32>} : memref<16xf32, #tpu.memory_space<vmem>>, vector<16xf32>,
    %add3A_8 = arith.constant 1.000000e+02 : f32
    %add3A_9 = vector.broadcast %add3A_8 : f32 to vector<16xf32>
    %add3A_10 = arith.addf %get3A_7, %add3A_9 : vector<16xf32>
    %broadcast_in_dim3A = arith.constant 0.000000e+00 : f32
    %broadcast_in_dim3A_11 = vector.broadcast %broadcast_in_dim3A : f32 to vector<16xf32>
    %scan3A = arith.constant 0 : i32
    %scan3A_12 = arith.constant 0 : i32
    %scan3A_13 = arith.constant 625 : i32
    %scan3A_14 = arith.addi %scan3A_12, %scan3A_13 : i32
    %scan3A_15 = arith.constant 1 : i32
    scf.for %scan3A_25 = %scan3A_12 to %scan3A_14 step %scan3A_15  : i32 {
      %mul3A_26 = arith.constant 10 : i32
      %mul3A_27 = arith.muli %scan3A_25, %mul3A_26 : i32
      %add3A_28 = arith.constant 0 : i32
      %add3A_29 = arith.addi %mul3A_27, %add3A_28 : i32
      %mul3A_30 = arith.constant 16 : i32
      %mul3A_31 = arith.muli %add3A_29, %mul3A_30 : i32
      %swap3A = arith.index_cast %mul3A_31 : i32 to index
      %swap3A_32 = tpu.vector_load %arg9[%swap3A] {strides = array<i32>} : memref<100000xf32, #tpu.memory_space<vmem>>, vector<16xf32>,
      tpu.vector_store %arg9[%swap3A], %broadcast_in_dim3A_11 {strides = array<i32>} : memref<100000xf32, #tpu.memory_space<vmem>>, vector<16xf32>,
      %mul3A_33 = arith.constant 10 : i32
      %mul3A_34 = arith.muli %scan3A_25, %mul3A_33 : i32
      %add3A_35 = arith.constant 1 : i32
      %add3A_36 = arith.addi %mul3A_34, %add3A_35 : i32
      %mul3A_37 = arith.constant 16 : i32
      %mul3A_38 = arith.muli %add3A_36, %mul3A_37 : i32
      %swap3A_39 = arith.index_cast %mul3A_38 : i32 to index
      %swap3A_40 = tpu.vector_load %arg9[%swap3A_39] {strides = array<i32>} : memref<100000xf32, #tpu.memory_space<vmem>>, vector<16xf32>,
      tpu.vector_store %arg9[%swap3A_39], %broadcast_in_dim3A_11 {strides = array<i32>} : memref<100000xf32, #tpu.memory_space<vmem>>, vector<16xf32>,
      %mul3A_41 = arith.constant 10 : i32
      %mul3A_42 = arith.muli %scan3A_25, %mul3A_41 : i32
      %add3A_43 = arith.constant 2 : i32
      %add3A_44 = arith.addi %mul3A_42, %add3A_43 : i32
      %mul3A_45 = arith.constant 16 : i32
      %mul3A_46 = arith.muli %add3A_44, %mul3A_45 : i32
      %swap3A_47 = arith.index_cast %mul3A_46 : i32 to index
      %swap3A_48 = tpu.vector_load %arg9[%swap3A_47] {strides = array<i32>} : memref<100000xf32, #tpu.memory_space<vmem>>, vector<16xf32>,
      tpu.vector_store %arg9[%swap3A_47], %broadcast_in_dim3A_11 {strides = array<i32>} : memref<100000xf32, #tpu.memory_space<vmem>>, vector<16xf32>,
      %mul3A_49 = arith.constant 10 : i32
      %mul3A_50 = arith.muli %scan3A_25, %mul3A_49 : i32
      %add3A_51 = arith.constant 3 : i32
      %add3A_52 = arith.addi %mul3A_50, %add3A_51 : i32
      %mul3A_53 = arith.constant 16 : i32
      %mul3A_54 = arith.muli %add3A_52, %mul3A_53 : i32
      %swap3A_55 = arith.index_cast %mul3A_54 : i32 to index
      %swap3A_56 = tpu.vector_load %arg9[%swap3A_55] {strides = array<i32>} : memref<100000xf32, #tpu.memory_space<vmem>>, vector<16xf32>,
      tpu.vector_store %arg9[%swap3A_55], %broadcast_in_dim3A_11 {strides = array<i32>} : memref<100000xf32, #tpu.memory_space<vmem>>, vector<16xf32>,
      %mul3A_57 = arith.constant 10 : i32
      %mul3A_58 = arith.muli %scan3A_25, %mul3A_57 : i32
      %add3A_59 = arith.constant 4 : i32
      %add3A_60 = arith.addi %mul3A_58, %add3A_59 : i32
      %mul3A_61 = arith.constant 16 : i32
      %mul3A_62 = arith.muli %add3A_60, %mul3A_61 : i32
      %swap3A_63 = arith.index_cast %mul3A_62 : i32 to index
      %swap3A_64 = tpu.vector_load %arg9[%swap3A_63] {strides = array<i32>} : memref<100000xf32, #tpu.memory_space<vmem>>, vector<16xf32>,
      tpu.vector_store %arg9[%swap3A_63], %broadcast_in_dim3A_11 {strides = array<i32>} : memref<100000xf32, #tpu.memory_space<vmem>>, vector<16xf32>,
      %mul3A_65 = arith.constant 10 : i32
      %mul3A_66 = arith.muli %scan3A_25, %mul3A_65 : i32
      %add3A_67 = arith.constant 5 : i32
      %add3A_68 = arith.addi %mul3A_66, %add3A_67 : i32
      %mul3A_69 = arith.constant 16 : i32
      %mul3A_70 = arith.muli %add3A_68, %mul3A_69 : i32
      %swap3A_71 = arith.index_cast %mul3A_70 : i32 to index
      %swap3A_72 = tpu.vector_load %arg9[%swap3A_71] {strides = array<i32>} : memref<100000xf32, #tpu.memory_space<vmem>>, vector<16xf32>,
      tpu.vector_store %arg9[%swap3A_71], %broadcast_in_dim3A_11 {strides = array<i32>} : memref<100000xf32, #tpu.memory_space<vmem>>, vector<16xf32>,
      %mul3A_73 = arith.constant 10 : i32
      %mul3A_74 = arith.muli %scan3A_25, %mul3A_73 : i32
      %add3A_75 = arith.constant 6 : i32
      %add3A_76 = arith.addi %mul3A_74, %add3A_75 : i32
      %mul3A_77 = arith.constant 16 : i32
      %mul3A_78 = arith.muli %add3A_76, %mul3A_77 : i32
      %swap3A_79 = arith.index_cast %mul3A_78 : i32 to index
      %swap3A_80 = tpu.vector_load %arg9[%swap3A_79] {strides = array<i32>} : memref<100000xf32, #tpu.memory_space<vmem>>, vector<16xf32>,
      tpu.vector_store %arg9[%swap3A_79], %broadcast_in_dim3A_11 {strides = array<i32>} : memref<100000xf32, #tpu.memory_space<vmem>>, vector<16xf32>,
      %mul3A_81 = arith.constant 10 : i32
      %mul3A_82 = arith.muli %scan3A_25, %mul3A_81 : i32
      %add3A_83 = arith.constant 7 : i32
      %add3A_84 = arith.addi %mul3A_82, %add3A_83 : i32
      %mul3A_85 = arith.constant 16 : i32
      %mul3A_86 = arith.muli %add3A_84, %mul3A_85 : i32
      %swap3A_87 = arith.index_cast %mul3A_86 : i32 to index
      %swap3A_88 = tpu.vector_load %arg9[%swap3A_87] {strides = array<i32>} : memref<100000xf32, #tpu.memory_space<vmem>>, vector<16xf32>,
      tpu.vector_store %arg9[%swap3A_87], %broadcast_in_dim3A_11 {strides = array<i32>} : memref<100000xf32, #tpu.memory_space<vmem>>, vector<16xf32>,
      %mul3A_89 = arith.constant 10 : i32
      %mul3A_90 = arith.muli %scan3A_25, %mul3A_89 : i32
      %add3A_91 = arith.constant 8 : i32
      %add3A_92 = arith.addi %mul3A_90, %add3A_91 : i32
      %mul3A_93 = arith.constant 16 : i32
      %mul3A_94 = arith.muli %add3A_92, %mul3A_93 : i32
      %swap3A_95 = arith.index_cast %mul3A_94 : i32 to index
      %swap3A_96 = tpu.vector_load %arg9[%swap3A_95] {strides = array<i32>} : memref<100000xf32, #tpu.memory_space<vmem>>, vector<16xf32>,
      tpu.vector_store %arg9[%swap3A_95], %broadcast_in_dim3A_11 {strides = array<i32>} : memref<100000xf32, #tpu.memory_space<vmem>>, vector<16xf32>,
      %mul3A_97 = arith.constant 10 : i32
      %mul3A_98 = arith.muli %scan3A_25, %mul3A_97 : i32
      %add3A_99 = arith.constant 9 : i32
      %add3A_100 = arith.addi %mul3A_98, %add3A_99 : i32
      %mul3A_101 = arith.constant 16 : i32
      %mul3A_102 = arith.muli %add3A_100, %mul3A_101 : i32
      %swap3A_103 = arith.index_cast %mul3A_102 : i32 to index
      %swap3A_104 = tpu.vector_load %arg9[%swap3A_103] {strides = array<i32>} : memref<100000xf32, #tpu.memory_space<vmem>>, vector<16xf32>,
      tpu.vector_store %arg9[%swap3A_103], %broadcast_in_dim3A_11 {strides = array<i32>} : memref<100000xf32, #tpu.memory_space<vmem>>, vector<16xf32>,
    }
    %scan3A_16 = arith.constant 625 : i32
    %iota3A = tpu.iota {dimensions = array<i32: 0>} : vector<16xi32>
    %ge3A = arith.constant 12 : i32
    %ge3A_17 = vector.broadcast %ge3A : i32 to vector<16xi32>
    %ge3A_18 = arith.cmpi sge, %iota3A, %ge3A_17 : vector<16xi32>
    %scan3A_19 = arith.constant 0 : i32
    %scan3A_20 = arith.constant 0 : i32
    %scan3A_21 = arith.constant 32 : i32
    %scan3A_22 = arith.addi %scan3A_20, %scan3A_21 : i32
    %scan3A_23 = arith.constant 1 : i32
    scf.for %scan3A_25 = %scan3A_20 to %scan3A_22 step %scan3A_23  : i32 {
      %get3A_26 = arith.index_cast %scan3A_25 : i32 to index
      %get3A_27 = arith.constant 0 : index
      %get3A_28 = tpu.vector_load %arg7[%get3A_26, %get3A_27] {strides = array<i32>} : memref<32x128xi32, #tpu.memory_space<vmem>>, vector<16xi32>,
      %get3A_29 = arith.index_cast %scan3A_25 : i32 to index
      %get3A_30 = arith.constant 4 : index
      %get3A_31 = tpu.vector_load %arg7[%get3A_29, %get3A_30] {strides = array<i32>} : memref<32x128xi32, #tpu.memory_space<vmem>>, vector<16xi32>,
      tpu.vector_store_idx %arg9[%get3A_28], %add3A_10 : memref<100000xf32, #tpu.memory_space<vmem>>[vector<16xi32>], vector<16xf32>,
      tpu.vector_store_idx %arg9[%get3A_31], %add3A_10 masked %ge3A_18 : memref<100000xf32, #tpu.memory_space<vmem>>[vector<16xi32>], vector<16xf32>, vector<16xi1>
      %add3A_32 = arith.addi %mul3A_2, %scan3A_25 : i32
      "tpu.region"() ({
        %run_scoped3A = tpu.sem_alloc : memref<!tpu.dma_semaphore, #tpu.memory_space<semaphore_mem>>
        %dma_start3A_33 = arith.constant 0 : i32
        %dma_start3A_34 = tpu.memref_slice %arg5[%add3A_32, %dma_start3A_33] : memref<1024x100000xf32, #tpu.memory_space<hbm>> -> memref<1x100000xf32, #tpu.memory_space<hbm>>
        %dma_start3A_35 = tpu.memref_squeeze %dma_start3A_34 : memref<1x100000xf32, #tpu.memory_space<hbm>> -> memref<100000xf32, #tpu.memory_space<hbm>>
        %dma_start3A_36 = arith.constant 0 : i32
        %dma_start3A_37 = tpu.memref_slice %arg5[%add3A_32, %dma_start3A_36] : memref<1024x100000xf32, #tpu.memory_space<hbm>> -> memref<1x100000xf32, #tpu.memory_space<hbm>>
        %dma_start3A_38 = tpu.memref_squeeze %dma_start3A_37 : memref<1x100000xf32, #tpu.memory_space<hbm>> -> memref<100000xf32, #tpu.memory_space<hbm>>
        tpu.enqueue_dma source(%arg9 : memref<100000xf32, #tpu.memory_space<vmem>>) target(%dma_start3A_38 : memref<100000xf32, #tpu.memory_space<hbm>>) target_semaphore(%run_scoped3A : memref<!tpu.dma_semaphore, #tpu.memory_space<semaphore_mem>>)
        %dma_wait3A_39 = arith.constant 0 : i32
        %dma_wait3A_40 = tpu.memref_slice %arg5[%add3A_32, %dma_wait3A_39] : memref<1024x100000xf32, #tpu.memory_space<hbm>> -> memref<1x100000xf32, #tpu.memory_space<hbm>>
        %dma_wait3A_41 = tpu.memref_squeeze %dma_wait3A_40 : memref<1x100000xf32, #tpu.memory_space<hbm>> -> memref<100000xf32, #tpu.memory_space<hbm>>
        %dma_wait3A_42 = arith.constant 0 : i32
        %dma_wait3A_43 = tpu.memref_slice %arg5[%add3A_32, %dma_wait3A_42] : memref<1024x100000xf32, #tpu.memory_space<hbm>> -> memref<1x100000xf32, #tpu.memory_space<hbm>>
        %dma_wait3A_44 = tpu.memref_squeeze %dma_wait3A_43 : memref<1x100000xf32, #tpu.memory_space<hbm>> -> memref<100000xf32, #tpu.memory_space<hbm>>
        tpu.wait_dma2 semaphore(%run_scoped3A : memref<!tpu.dma_semaphore, #tpu.memory_space<semaphore_mem>>) src(%arg9 : memref<100000xf32, #tpu.memory_space<vmem>>) dst(%dma_wait3A_44 : memref<100000xf32, #tpu.memory_space<hbm>>)
        tpu.yield
      }) : () -> ()
      tpu.vector_store_idx %arg9[%get3A_28], %broadcast_in_dim3A_11 : memref<100000xf32, #tpu.memory_space<vmem>>[vector<16xi32>], vector<16xf32>,
      tpu.vector_store_idx %arg9[%get3A_31], %broadcast_in_dim3A_11 masked %ge3A_18 : memref<100000xf32, #tpu.memory_space<vmem>>[vector<16xi32>], vector<16xf32>, vector<16xi1>
    }
    %scan3A_24 = arith.constant 32 : i32
    return
  }
}

</mosaic_0001>

<sc_bundles>
// kernel: kernel.3.cloned.1.call-start
scs
__scs_entry_jumppad:
0x0: {  	(pc) =	sbr.rel $0x88, $3  }
0x1: {  	(tag) =	ssettag $0x0;
	lr =	simm.s32 $0x1  }
0x2: {  	[smem:$0x3F9E] =	sst lr;
	_ =	strace $0xD0000000  }
0x3: {  	_ = 	snop  }
0x4: {  	_ = 	snop  }
0x5: {  	_ = 	snop  }
0x6: {  	_ = 	snop  }
0x7: {  	_ = 	snop  }
__scs_overlays_trampoline_lowered:
0x8: {  	[smem:$0x3FAD] =	sst s0  }
0x9: {  	[smem:$0x3FAE] =	sst s1  }
0xa: {  	[smem:$0x3FAF] =	sst s2  }
0xb: {  	[smem:$0x3FB0] =	sst s3  }
0xc: {  	[smem:$0x3FB1] =	sst s4  }
0xd: {  	[smem:$0x3FB2] =	sst s5  }
0xe: {  	[smem:$0x3FB3] =	sst s6  }
0xf: {  	[smem:$0x3FB4] =	sst s7  }
0x10: {  	[smem:$0x3FB5] =	sst s8  }
0x11: {  	[smem:$0x3FB6] =	sst s9;
	s0 =	simm.s32 @!p0 $0x0  }
0x12: {  	s1 =	sld [smem:$0x3F9C];
	s0 =	simm.s32 @p0 $0x1  }
0x13: {  	[smem:$0x3FB7] =	sst s0;
	s0 =	simm.s32 @!p1 $0x0  }
0x14: {  	s2 =	sld [smem:$0x3F9B];
	s0 =	simm.s32 @p1 $0x1  }
0x15: {  	[smem:$0x3FB8] =	sst s0;
	s0 =	simm.s32 @!p2 $0x0  }
0x16: {  	s3 =	sld [smem:$0x3FDB];
	s0 =	simm.s32 @p2 $0x1  }
0x17: {  	s4 =	simm.s32 $0x1BF5;
	[smem:$0x3FBA] =	sst s0  }
0x18: {  	s0 =	sld [smem:$0x3F9D];
	_ =	swait.ge [sflag:s4], $0x0  }
0x19: {  	s7 =	sld [smem:$0x3F9E]  }
0x1a: {  	s8 =	sadd.s32 $0xFFFFE003, lr  }
0x1b: {  	s9 =	sadd.s32 $0xFFFFFEF7, lr;
	s5 =	simm.s32 $0xFFFFFFFF;
	p2 =	slt.u32 s8, $0xFFFFF086  }
0x1c: {  	p1 =	slt.u32 s9, $0xF7A;
	s5 =	simm.s32 @!p2 $0x0  }
0x1d: {  	s5 =	simm.s32 @p1 $0x1;
	p0 =	seq.s32 s7, s2  }
0x1e: {  	s7 =	smul.u32 @!p0 $0xF7A, s2;
	p2 =	seq.s32 @!p0 s5, $0x0  }
0x1f: {  	s9 =	smul.u32 $0xF7A, s1;
	s8 =	simm.s32 @!p0 $0x1BF5;
	p2 =	por !p2, p0  }
0x20: {  	[sflag:s8] =	ssyncset.s32 @!p0 $0xFFFFF086;
	s6 =	sadd.s32 @!p0 s3, s7;
	s7 =	simm.s32 @!p0 $0x108  }
0x21: {  	s3 =	sadd.s32 s3, s9;
	s6 =	sadd.s32 @!p0 $0x88, s6;
	s7 =	simm.s32 @p2 $0x1082  }
0x22: {  	[simem:s7], [sflag:s8] =	dma.local @!p0 [hbm:s6], $0xF7A  }
0x23: {  	s9 =	sor.u32 $0xD0000000, s2;
	s6 =	simm.s32 $0x108;
	_ =	swait.ge @!p0 [sflag:s8], $0x0  }
0x24: {  	s3 =	sadd.s32 $0x88, s3;
	s6 =	simm.s32 @!p1 $0x1082;
	[sflag:s4] =	ssyncset.s32 $0xFFFFF086  }
0x25: {  	[simem:s6], [sflag:s4] =	dma.local [hbm:s3], $0xF7A  }
0x26: {  	[smem:$0x3F9E] =	sst s1;
	(tag) =	ssettag s2;
	_ =	strace s9  }
0x27: {  	s1 =	sld [smem:$0x3FAE]  }
0x28: {  	s2 =	sld [smem:$0x3FAF]  }
0x29: {  	s4 =	sld [smem:$0x3FB1]  }
0x2a: {  	p0 =	seq.s32 s5, $0x0;
	s5 =	sld [smem:$0x3FB2]  }
0x2b: {  	s6 =	sld [smem:$0x3FB3]  }
0x2c: {  	s7 =	sld [smem:$0x3FB4]  }
0x2d: {  	s3 =	simm.s32 $0x108;
	s8 =	sld [smem:$0x3FB5]  }
0x2e: {  	s3 =	simm.s32 @!p0 $0x1082;
	s9 =	sld [smem:$0x3FB6]  }
0x2f: {  	lr =	sadd.s32 s0, s3;
	s0 =	sld [smem:$0x3FAD]  }
0x30: {  	s3 =	sld [smem:$0x3FB0]  }
0x31: {  	[smem:$0x3FB9] =	sst s10  }
0x32: {  	s10 =	sld [smem:$0x3FB7];
	_ =	sdelay $0x3  }
0x33: {  	p0 =	seq.s32 s10, $0x1;
	s10 =	sld [smem:$0x3FB9];
	_ =	sdelay $0x3  }
0x34: {  	[smem:$0x3FB9] =	sst s10  }
0x35: {  	s10 =	sld [smem:$0x3FB8];
	_ =	sdelay $0x3  }
0x36: {  	p1 =	seq.s32 s10, $0x1;
	s10 =	sld [smem:$0x3FB9];
	_ =	sdelay $0x3  }
0x37: {  	[smem:$0x3FB9] =	sst s10  }
0x38: {  	s10 =	sld [smem:$0x3FBA]  }
0x39: {  	_ = 	snop;
	(pc) =	sbr.ind lr, $3  }
0x3a: {  	_ = 	snop  }
0x3b: {  	_ = 	snop  }
0x3c: {  	p2 =	seq.s32 s10, $0x1;
	s10 =	sld [smem:$0x3FB9]  }
0x3d: {  	_ =	shalt  }
0x3e: {  	_ =	shalt  }
0x3f: {  	_ =	shalt  }
0x40: {  	_ =	shalt  }
0x41: {  	_ =	shalt  }
0x42: {  	_ =	shalt  }
0x43: {  	_ =	shalt  }
0x44: {  	_ =	shalt  }
0x45: {  	_ =	shalt  }
0x46: {  	_ =	shalt  }
0x47: {  	_ =	shalt  }
0x48: {  	_ =	shalt  }
0x49: {  	_ =	shalt  }
0x4a: {  	_ =	shalt  }
0x4b: {  	_ =	shalt  }
0x4c: {  	_ =	shalt  }
0x4d: {  	_ =	shalt  }
0x4e: {  	_ =	shalt  }
0x4f: {  	_ =	shalt  }
0x50: {  	_ =	shalt  }
0x51: {  	_ =	shalt  }
0x52: {  	_ =	shalt  }
0x53: {  	_ =	shalt  }
0x54: {  	_ =	shalt  }
0x55: {  	_ =	shalt  }
0x56: {  	_ =	shalt  }
0x57: {  	_ =	shalt  }
0x58: {  	_ =	shalt  }
0x59: {  	_ =	shalt  }
0x5a: {  	_ =	shalt  }
0x5b: {  	_ =	shalt  }
0x5c: {  	_ =	shalt  }
0x5d: {  	_ =	shalt  }
0x5e: {  	_ =	shalt  }
0x5f: {  	_ =	shalt  }
0x60: {  	_ =	shalt  }
0x61: {  	_ =	shalt  }
0x62: {  	_ =	shalt  }
0x63: {  	_ =	shalt  }
0x64: {  	_ =	shalt  }
0x65: {  	_ =	shalt  }
0x66: {  	_ =	shalt  }
0x67: {  	_ =	shalt  }
0x68: {  	_ =	shalt  }
0x69: {  	_ =	shalt  }
0x6a: {  	_ =	shalt  }
0x6b: {  	_ =	shalt  }
0x6c: {  	_ =	shalt  }
0x6d: {  	_ =	shalt  }
0x6e: {  	_ =	shalt  }
0x6f: {  	_ =	shalt  }
0x70: {  	_ =	shalt  }
0x71: {  	_ =	shalt  }
0x72: {  	_ =	shalt  }
0x73: {  	_ =	shalt  }
0x74: {  	_ =	shalt  }
0x75: {  	_ =	shalt  }
0x76: {  	_ =	shalt  }
0x77: {  	_ =	shalt  }
0x78: {  	_ =	shalt  }
0x79: {  	_ =	shalt  }
0x7a: {  	_ =	shalt  }
0x7b: {  	_ =	shalt  }
0x7c: {  	_ =	shalt  }
0x7d: {  	_ =	shalt  }
0x7e: {  	_ =	shalt  }
0x7f: {  	_ =	shalt  }
0x80: {  	_ =	shalt  }
0x81: {  	_ =	shalt  }
0x82: {  	_ =	shalt  }
0x83: {  	_ =	shalt  }
0x84: {  	_ =	shalt  }
0x85: {  	_ =	shalt  }
0x86: {  	_ =	shalt  }
0x87: {  	_ =	shalt  }
.Lfunc_end0:
.L_simem_size_0:
called_computation_lowered:
.L_overlay_start_0:
0x88: {  	s2 =	sld [smem:$0x3FD9]  }
0x89: {  	s3 =	sld [smem:$0x3FFE];
	_ =	sdelay $0x1  }
0x8a: {  	s1 =	srdreg.scid  }
0x8b: {  	s0 =	sand.u32 $0x1, s1  }
0x8c: {  	s17 =	sshll.u32 s0, $0xA;
	s2 =	sadd.s32 s3, s2  }
0x8d: {  	s2 =	sadd.s32 s2, s17  }
0x8e: {  	[smem:$0x3FC5] =	sst s2  }
0x8f: {  	_ = 	snop  }
0x90: {  	s2 =	sld [smem:$0x3FC9]  }
0x91: {  	s18 =	sld [smem:$0x3FD0];
	(tm) =	ssettm $0x1  }
0x92: {  	s4 =	sld [smem:$0x3FFB];
	_ =	sdelay $0x3  }
0x93: {  	_ =	strace s4  }
0x94: {  	s4 =	sld [smem:$0x3FFC];
	_ =	sdelay $0x3  }
0x95: {  	_ =	strace s4  }
0x96: {  	s4 =	sld [smem:$0x3FFD];
	_ =	sdelay $0x3  }
0x97: {  	_ =	strace s4  }
0x98: {  	_ =	strace $0x8FFFFFFF  }
0x99: {  	s19 =	sld [smem:$0x3FDB];
	_ =	sdelay $0x1  }
0x9a: {  	s5 =	simm.s32 $_scs_section_size  }
0x9b: {  	s6 =	simm.s32 $_size__tile_overlayer_lowered;
	s7 =	simm.s32 $_tile_overlayer_lowered  }
0x9c: {  	s22 =	simm.s32 $0x1BFF;
	s21 =	sshll.u32 s7, $0x1;
	s4 =	sadd.s32 s5, s19  }
0x9d: {  	s8 =	simm.s32 $0x0;
	s20 =	sshll.u32 s6, $0x1;
	s6 =	sadd.s32 s21, s4  }
0x9e: {  	[timem:s8], [sflag:s22] =	dma.local [hbm:s6], s20  }
0x9f: {  	_ =	swait.ge [sflag:s22], s20  }
0xa0: {  	s5 =	ssub.s32 $0x0, s20;
	[sflag:s22] =	ssyncset.done $0x0  }
0xa1: {  	[sflag:s22] =	ssyncadd.s32 s5;
	_ =	sdelay $0x1  }
0xa2: {  	s23 =	simm.s32 $0x1B8B  }
0xa3: {  	_ =	swait.ge [sflag:s23], $0x1  }
0xa4: {  	[sflag:s23] =	ssyncset.done $0x0  }
0xa5: {  	s25 =	simm.s32 $0x1B8E;
	s24 =	sld [smem:$0x3FFE];
	[sflag:s23] =	ssyncadd.s32 $0xFFFFFFFF  }
0xa6: {  	s26 =	simm.s32 $execute0_lowered;
	[smem:$0x3FD2] =	sst s25  }
0xa7: {  	s6 =	sshll.u32 s26, $0x1;
	_ =	strace $0x80000046;
	[dreg:$0x1] =	wrdreg $0xFFFFFFFF  }
0xa8: {  	s28 =	simm.s32 $_size_execute0_lowered;
	s4 =	sadd.s32 s4, s6;
	[dreg:$0x0] =	wrdreg $0x0  }
0xa9: {  	s6 =	sshll.u32 s28, $0x1;
	[dreg:$0x2] =	wrdreg s4  }
0xaa: {  	[dreg:$0x3] =	wrdreg s6  }
0xab: {  	[dreg:$0x4] =	wrdreg $0xC0  }
0xac: {  	_ =	task [dreg:s8], $0x5FFFF  }
0xad: {  	[dreg:$0x1] =	wrdreg $0xFFFFFFFF  }
0xae: {  	[dreg:$0x0] =	wrdreg $0x60  }
0xaf: {  	[dreg:$0x2] =	wrdreg s2  }
0xb0: {  	[dreg:$0x3] =	wrdreg s24  }
0xb1: {  	[dreg:$0x4] =	wrdreg s18  }
0xb2: {  	[dreg:$0x5] =	wrdreg $0x9  }
0xb3: {  	_ =	task.clear_ibuf [dreg:s8], $0x6FFFF;
	_ =	strace $0x90000046  }
0xb4: {  	s29 =	simm.s32 $0x9;
	_ =	strace $0x80000048  }
0xb5: {  	_ =	swait.ge [sflag:s29], $0x1  }
0xb6: {  	[sflag:s29] =	ssyncadd.s32 $0xFFFFFFFF  }
0xb7: {  	_ =	strace $0x90000048  }
0xb8: {  	_ =	sfence  }
0xb9: {  	s30 =	sld [smem:$0x0];
	_ =	sdelay $0x2  }
0xba: {  	s31 =	sshll.u32 s1, $0xD;
	s1 =	sshrl.u32 s1, $0x2  }
0xbb: {  	s3 =	sand.u32 $0x4000, s31;
	s1 =	sadd.s32 s1, s30  }
0xbc: {  	s0 =	sor.u32 s3, s0;
	s1 =	sshll.u32 s1, $0x11  }
0xbd: {  	s0 =	sor.u32 s1, s0  }
0xbe: {  	s0 =	sadd.s32 $0x8F2B, s0  }
0xbf: {  	[sflag:s0] =	ssyncadd.remote.s32 $0x1  }
0xc0: {  	_ =	sfence.sel $0xFFFF  }
0xc1: {  	[dreg:$0x0] =	wrdreg $0xFFFFFFFF;
	(pc) =	sbr.abs _section_cstart, $3  }
0xc2: {  	[dreg:$0x1] =	wrdreg $0xFFFFFFFF  }
0xc3: {  	_ =	task.clear_ibuf [dreg:s8], $0x2FFFF;
	_ =	strace $0x9FFFFFFF  }
0xc4: {  	(tm) =	ssettm $0x7FFFFFFF  }
0xc5: {  	_ =	shalt  }
tec
execute0_lowered:
.L_overlay_start_1:
0x0: {  	(tag) =	ssettag $0x1  }
0x1: {  	s8 =	rddreg [dreg:$0x0]  }
0x2: {  	s7 =	rddreg [dreg:$0x1]  }
0x3: {  	s2 =	rddreg [dreg:$0x2]  }
0x4: {  	s0 =	rddreg [dreg:$0x3];
	s4 =	srdreg.scid  }
0x5: {  	s3 =	simm.s32 $0x0;
	s1 =	stileid.u32;
	s11 =	simm.s32 $0x20  }
0x6: {  	s12 =	simm.s32 $0x80;
	s13 =	simm.s32 $0x1;
	s14 =	simm.s32 $0x1080  }
0x7: {  	s15 =	simm.s32 $0x1100;
	vm0 =	vcmask $0x3F30;
	s16 =	simm.s32 $0x400;
	s17 =	simm.s32 $0x0  }
0x8: {  	s4 =	sand.u32 $0x1, s4;
	[smem:$0x7FF] =	sst s3;
	s5 =	sshll.u32 s1, $0x6  }
0x9: {  	s6 =	sshll.u32 s4, $0x5;
	_ =	strace $0x80000047;
	s9 =	ssub.s32 $0x2, s4  }
0xa: {  	s4 =	sor.u32 s6, s5;
	s5 =	sadd.s32 $0x400, s7;
	s10 =	sshrl.u32 s9, $0x1  }
0xb: {  	s7 =	sadd.s32 $0x186E00, s7;
	s6 =	sshrl.u32 s4, $0x3;
	s9 =	ssub.s32 s9, s10  }
0xc: {  	v0 =	vimm.f32 $0.0e+00;
	s10 =	simm.s32 $0x2;
	s8 =	sadd.s32 s8, s6;
	s9 =	smax.u32 s9, $0x1  }
.LBB2_1:
0xd: {  	[tilespmem:s3], [sflag:$0x2] =	stream.linear.gather [hbm4b:s8+s3], $0x20, $0x38;
	[tilespmem:$0x19800] =	vst v63  }
0xe: {  	_ =	swait.ge [sflag:s10], $0x20  }
0xf: {  	[sflag:s10] =	ssyncset.done $0x0  }
0x10: {  	[sflag:s10] =	ssyncadd.s32 $0xFFFFFFE0  }
0x11: {  	[tilespmem:s12], [sflag:$0x1] =	stream.indirect.gather [hbm4b:s5+s11], $0x80, s3, s11, $0xb8;
	[tilespmem:$0x19800] =	vst v63  }
0x12: {  	_ =	swait.ge [sflag:s13], $0x1000  }
0x13: {  	[sflag:s13] =	ssyncset.done $0x0  }
0x14: {  	[sflag:s13] =	ssyncadd.s32 $0xFFFFF000  }
0x15: {  	[tilespmem:s14], [sflag:$0x2] =	stream.linear.gather [hbm4b:s2+s3], $0x80, $0x38;
	[tilespmem:$0x19800] =	vst v63  }
0x16: {  	_ =	swait.ge [sflag:s10], $0x80  }
0x17: {  	[sflag:s10] =	ssyncset.done $0x0  }
0x18: {  	s18 =	simm.s32 $0x1150;
	[sflag:s10] =	ssyncadd.s32 $0xFFFFFF80  }
0x19: {  	v1 =	vld [tilespmem:$0x1080];
	[tilespmem:s18+$0xFFFFFFC0] =	vst v0  }
0x1a: {  	[tilespmem:s18+$0xFFFFFFD0] =	vst v0  }
0x1b: {  	[tilespmem:s18+$0xFFFFFFE0] =	vst v0  }
0x1c: {  	[tilespmem:s18+$0xFFFFFFF0] =	vst v0  }
0x1d: {  	[tilespmem:s18+$0x0] =	vst v0  }
0x1e: {  	[tilespmem:s18+$0x10] =	vst v0  }
0x1f: {  	[tilespmem:s18+$0x20] =	vst v0  }
0x20: {  	s20 =	sand.u32 $0x3FFE0, s3;
	s19 =	simm.s32 $0xA0;
	[tilespmem:s18+$0xFFFFFFB0] =	vst v0  }
.LBB2_2:
0x21: {  	p0 =	sne.s32 s19, $0x18600;
	[tilespmem:s20+$0x1180] =	vst v0  }
0x22: {  	[tilespmem:s18+$0x40] =	vst v0;
	s18 =	sadd.s32 $0xA0, s18  }
0x23: {  	[tilespmem:s18+$0xFFFFFFC0] =	vst v0  }
0x24: {  	[tilespmem:s18+$0xFFFFFFD0] =	vst v0  }
0x25: {  	[tilespmem:s18+$0xFFFFFFE0] =	vst v0  }
.Ltmp0:
0x26: {  	[tilespmem:s18+$0xFFFFFFF0] =	vst v0;
	(pc) =	sbr.rel @p0 .LBB2_2-.Ltmp0, $4  }
0x27: {  	[tilespmem:s18+$0x0] =	vst v0  }
0x28: {  	[tilespmem:s18+$0x10] =	vst v0  }
0x29: {  	[tilespmem:s18+$0x20] =	vst v0  }
0x2a: {  	s20 =	sand.u32 $0x3FFE0, s19;
	s19 =	sadd.s32 $0xA0, s19;
	[tilespmem:s18+$0xFFFFFFB0] =	vst v0  }
0x2b: {  	[tilespmem:s20+$0x1180] =	vst v0  }
0x2c: {  	[tilespmem:s18+$0x40] =	vst v0;
	s18 =	simm.s32 $0x84  }
0x2d: {  	v3 =	vld [tilespmem:s18+$0xFFFFFFFC]  }
0x2e: {  	v2 =	vld [tilespmem:s18+$0x0];
	_ =	sdelay $0x3  }
0x2f: {  	s19 =	simm.s32 $0x0;
	s31 =	smul.u32 $0xC3800, s6  }
0x30: {  	v1 =	vadd.f32 $1.000000000e+02, v1;
	s19 =	sand.u32 $0x380, s19  }
0x31: {  	s19 =	sor.u32 s19, s31  }
0x32: {  	s19 =	sshrl.u32 s19, $0x3;
	[tilespmem:v3+s15+$0x0] =	vst.idx.msk $0xffff, v1  }
0x33: {  	s19 =	sadd.s32 s7, s19;
	[tilespmem:v2+s15+$0x0] =	vst.idx.msk vm0, v1  }
0x34: {  	[hbm4b:s19+s12] =	stream.strided.scatter [tilespmem:s15], [sflag:$0x2], $0x18700, s16, s12, $0x38;
	[tilespmem:$0x19800] =	vst v63  }
0x35: {  	_ =	swait.ge [sflag:s10], $0x18700  }
0x36: {  	[sflag:s10] =	ssyncset.done $0x0  }
0x37: {  	[sflag:s10] =	ssyncadd.s32 $0xFFFE7900  }
0x38: {  	s20 =	smov.u32 s4;
	s19 =	simm.s32 $0x80;
	[tilespmem:v3+s15+$0x0] =	vst.idx.msk $0xffff, v0  }
.LBB2_4:
0x39: {  	p0 =	sne.s32 s19, $0xF80;
	[tilespmem:v2+s15+$0x0] =	vst.idx.msk vm0, v0;
	s18 =	sadd.s32 $0x80, s18;
	s20 =	sadd.s32 $0x1, s20  }
0x3a: {  	s21 =	smov.u32 s19;
	s19 =	sadd.s32 $0x80, s19  }
0x3b: {  	v3 =	vld [tilespmem:s18+$0xFFFFFFFC]  }
0x3c: {  	v2 =	vld [tilespmem:s18+$0x0];
	_ =	sdelay $0x2  }
0x3d: {  	s22 =	sshrl.u32 s20, $0x3  }
0x3e: {  	s22 =	smul.u32 $0xC3800, s22  }
0x3f: {  	s21 =	sand.u32 $0x380, s21  }
0x40: {  	s21 =	sor.u32 s21, s22  }
0x41: {  	s21 =	sshrl.u32 s21, $0x3;
	[tilespmem:v3+s15+$0x0] =	vst.idx.msk $0xffff, v1  }
0x42: {  	s21 =	sadd.s32 s7, s21;
	[tilespmem:v2+s15+$0x0] =	vst.idx.msk vm0, v1  }
0x43: {  	[hbm4b:s21+s12] =	stream.strided.scatter [tilespmem:s15], [sflag:$0x2], $0x18700, s16, s12, $0x38;
	[tilespmem:$0x19800] =	vst v63  }
.Ltmp1:
0x44: {  	_ = 	snop;
	(pc) =	sbr.rel @p0 .LBB2_4-.Ltmp1, $4  }
0x45: {  	_ =	swait.ge [sflag:s10], $0x18700  }
0x46: {  	[sflag:s10] =	ssyncset.done $0x0  }
0x47: {  	[sflag:s10] =	ssyncadd.s32 $0xFFFE7900  }
0x48: {  	[tilespmem:v3+s15+$0x0] =	vst.idx.msk $0xffff, v0  }
0x49: {  	s17 =	sadd.s32 $0x1, s17  }
0x4a: {  	p0 =	sne.s32 s17, s9  }
.Ltmp2:
0x4b: {  	_ = 	snop;
	(pc) =	sbr.rel @p0 .LBB2_1-.Ltmp2, $2  }
0x4c: {  	_ =	sdelay $0x2  }
0x4d: {  	[tilespmem:v2+s15+$0x0] =	vst.idx.msk vm0, v0  }
0x4e: {  	_ =	sfence.sel $0x180000  }
0x4f: {  	[bflag:$0x0] =	sbarrier.arrive $0xFFFF  }
0x50: {  	p0 =	sne.s32 s1, $0x0;
	_ =	strace $0x90000047  }
0x51: {  	s0 =	sadd.s32 @!p0 $0x100000, s0;
	[bflag:$0x2] =	sbarrier.arrive $0xFFFF  }
0x52: {  	[sflag:s0] =	ssyncadd.tile.s32 @!p0 $0x1;
	_ =	shalt  }
.Lfunc_end2:
_tile_overlayer_lowered:
.L_overlay_start_2:
0x53: {  	(tag) =	ssettag $0x2  }
0x54: {  	s0 =	rddreg [dreg:$0x0];
	s2 =	stileid.u32  }
0x55: {  	s1 =	rddreg [dreg:$0x1];
	p0 =	sne.s32 s2, $0x0  }
0x56: {  	s3 =	rddreg [dreg:$0x2];
	[bflag:$0x3] =	sbarrier.arrive $0xFFFF;
	s2 =	simm.s32 @!p0 $0x1C02  }
0x57: {  	[timem:s3], [sflag:s2] =	dma.local @!p0 [hbm:s0], s1  }
0x58: {  	s0 =	simm.s32 @!p0 $0x2  }
0x59: {  	_ =	swait.ge @!p0 [sflag:s0], s1  }
0x5a: {  	s1 =	ssub.s32 @!p0 $0x0, s1;
	[sflag:s0] =	ssyncset.done @!p0 $0x0  }
0x5b: {  	[sflag:s0] =	ssyncadd.s32 @!p0 s1  }
0x5c: {  	[bflag:$0x3] =	sbarrier.arrive $0xFFFF  }
0x5d: {  	_ =	shalt  }

</sc_bundles>
